<compile_context>
chip_gen: v7x
topology: tpu7x:2x2x1
jax: 0.10.2.dev20260603
libtpu: 0.0.44.dev20260713+nightly
codegen_flags: <defaults>
</compile_context>

<pallas_src>
import functools

import jax
import jax.numpy as jnp
from jax import lax
from jax.experimental import pallas as pl
from jax.experimental.pallas import tpu as pltpu
from jax.experimental.pallas import tpu_sc as plsc

_E = 8
_TOPK = 2
_BR = 4096
_NC = 2
_NS = 16
_L = 16


def _gate_block(x_ref, w_ref, b_ref, logits_ref):
    x = x_ref[...]
    w = w_ref[...]
    logits = jax.lax.dot_general(
        x, w, (((1,), (1,)), ((), ())), preferred_element_type=jnp.float32
    ) + b_ref[...]
    logits_ref[...] = logits.T


def _make_router(n_tokens):
    nw = _NC * _NS
    tpw = n_tokens // nw
    mesh = plsc.VectorSubcoreMesh(
        core_axis_name="c", subcore_axis_name="s", num_cores=_NC
    )

    @functools.partial(
        pl.kernel,
        mesh=mesh,
        out_type=[
            jax.ShapeDtypeStruct((_TOPK, n_tokens), jnp.float32),
            jax.ShapeDtypeStruct((_TOPK, n_tokens), jnp.int32),
        ],
        scratch_types=[
            pltpu.VMEM((_E, tpw), jnp.float32),
            pltpu.VMEM((_TOPK, tpw), jnp.float32),
            pltpu.VMEM((_TOPK, tpw), jnp.int32),
        ],
    )
    def _route(logits_hbm, vals_hbm, idx_hbm, lg_v, vals_v, idx_v):
        wid = lax.axis_index("s") * _NC + lax.axis_index("c")
        base = wid * tpw
        pltpu.sync_copy(logits_hbm.at[:, pl.ds(base, tpw)], lg_v)

        neg_inf = jnp.full((_L,), -jnp.inf, jnp.float32)

        def step(j, carry):
            s = pl.ds(j * _L, _L)
            rows = [lg_v[e, s] for e in range(_E)]
            m1 = rows[0]
            for e in range(1, _E):
                m1 = jnp.maximum(m1, rows[e])
            idx1 = jnp.full((_L,), _E - 1, jnp.int32)
            for e in range(_E - 2, -1, -1):
                idx1 = jnp.where(rows[e] == m1, e, idx1)
            m2 = neg_inf
            for e in range(_E):
                m2 = jnp.maximum(m2, jnp.where(idx1 == e, neg_inf, rows[e]))
            idx2 = jnp.full((_L,), 0, jnp.int32)
            for e in range(_E - 1, -1, -1):
                idx2 = jnp.where((rows[e] == m2) & (idx1 != e), e, idx2)
            w1 = 1.0 / (1.0 + jnp.exp(m2 - m1))
            vals_v[0, s] = w1
            vals_v[1, s] = 1.0 - w1
            idx_v[0, s] = idx1
            idx_v[1, s] = idx2
            return carry

        lax.fori_loop(0, tpw // _L, step, 0)
        pltpu.sync_copy(vals_v, vals_hbm.at[:, pl.ds(base, tpw)])
        pltpu.sync_copy(idx_v, idx_hbm.at[:, pl.ds(base, tpw)])

    return _route


def kernel(hidden_states, W, b):
    orig_shape = hidden_states.shape
    x = hidden_states.reshape(-1, orig_shape[-1])
    n_tokens, hidden = x.shape
    grid = (n_tokens // _BR,)

    logits_t = pl.pallas_call(
        _gate_block,
        grid=grid,
        in_specs=[
            pl.BlockSpec((_BR, hidden), lambda i: (i, 0)),
            pl.BlockSpec((_E, hidden), lambda i: (0, 0)),
            pl.BlockSpec((1, _E), lambda i: (0, 0)),
        ],
        out_specs=[pl.BlockSpec((_E, _BR), lambda i: (0, i))],
        out_shape=[jax.ShapeDtypeStruct((_E, n_tokens), jnp.float32)],
        compiler_params=pltpu.CompilerParams(
            dimension_semantics=("arbitrary",),
        ),
    )(x, W, b.reshape(1, _E))[0]

    vals_t, idx_t = _make_router(n_tokens)(logits_t)
    return (logits_t.T, vals_t.T, idx_t.T)

# --- scband reference (transcript-rebuilt; emitter-appended) ---
"""Pipeline reference for scband-moerouter-72335839199353 (READ-ONLY COPY).

The authoritative reference and input builder live on the scoring server;
editing this copy changes nothing except your own understanding.
"""

import jax, jax.numpy as jnp
import numpy as np

B, S, HIDDEN = 4, 8192, 768
E, TOPK = 8, 2


def setup_inputs(seed: int = 0) -> dict:
    key = jax.random.key(seed)
    k1, k2, k3 = jax.random.split(key, 3)
    hidden_states = jax.random.normal(k1, (B, S, HIDDEN), dtype=jnp.float32)
    # gate = nn.Linear(hidden_dim, routed_expert_num): weight [E, HIDDEN], bias [E]
    W = jax.random.normal(k2, (E, HIDDEN), dtype=jnp.float32) * (1.0 / np.sqrt(HIDDEN))
    b = jax.random.uniform(k3, (E,), dtype=jnp.float32, minval=-1.0 / np.sqrt(HIDDEN), maxval=1.0 / np.sqrt(HIDDEN))
    return {"hidden_states": hidden_states, "W": W, "b": b}


def reference(hidden_states, W, b):
    original_shape = hidden_states.shape
    if len(original_shape) == 3:
        x = hidden_states.reshape(-1, original_shape[-1])
    else:
        x = hidden_states
    logits = x @ W.T + b
    logits_max = jax.lax.stop_gradient(jnp.max(logits, axis=-1, keepdims=True))
    logits_stable = logits - logits_max
    probs = jax.nn.softmax(logits_stable, axis=-1)
    topk_vals, topk_idx = jax.lax.top_k(probs, TOPK)
    if TOPK == 1:
        norm_vals = jnp.ones_like(topk_vals)
    else:
        sum_vals = jnp.clip(jnp.sum(topk_vals, axis=-1, keepdims=True), 1e-06, None)
        norm_vals = topk_vals / sum_vals
    return (logits, norm_vals, topk_idx)

if __name__ == "__main__":
    import jax
    _d = setup_inputs()
    print(jax.jit(kernel)(*tuple(_d.values())))

</pallas_src>

<mosaic_0001>
#map = affine_map<(d0, d1) -> (0, 0)>
module attributes {stable_mosaic.version = 14 : i64} {
  func.func @_route(%arg0: i32, %arg1: i32, %arg2: memref<8x32768xf32, #tpu.memory_space<hbm>>, %arg3: memref<2x32768xf32, #tpu.memory_space<hbm>>, %arg4: memref<2x32768xi32, #tpu.memory_space<hbm>>, %arg5: memref<8x1024xf32, #tpu.memory_space<vmem>>, %arg6: memref<2x1024xf32, #tpu.memory_space<vmem>>, %arg7: memref<2x1024xi32, #tpu.memory_space<vmem>>) attributes {dimension_semantics = [#tpu.dimension_semantics<core_parallel>, #tpu.dimension_semantics<subcore_parallel>], iteration_bounds = array<i64: 2, 16>, scalar_prefetch = 0 : i64, scratch_operands = 3 : i64, tpu.core_type = #tpu.core_type<sc_vector_subcore>, window_params = [{transform_indices = #map}, {transform_indices = #map}, {transform_indices = #map}]} {
    %mul3A = arith.constant 2 : i32
    %mul3A_0 = arith.muli %arg1, %mul3A : i32
    %add3A = arith.addi %mul3A_0, %arg0 : i32
    %mul3A_1 = arith.constant 1024 : i32
    %mul3A_2 = arith.muli %add3A, %mul3A_1 : i32
    "tpu.region"() ({
      %run_scoped3A = tpu.sem_alloc : memref<!tpu.dma_semaphore, #tpu.memory_space<semaphore_mem>>
      %dma_start3A = arith.constant 0 : i32
      %dma_start3A_9 = tpu.memref_slice %arg2[%dma_start3A, %mul3A_2] : memref<8x32768xf32, #tpu.memory_space<hbm>> -> memref<8x1024xf32, #tpu.memory_space<hbm>>
      %dma_start3A_10 = arith.constant 0 : i32
      %dma_start3A_11 = tpu.memref_slice %arg2[%dma_start3A_10, %mul3A_2] : memref<8x32768xf32, #tpu.memory_space<hbm>> -> memref<8x1024xf32, #tpu.memory_space<hbm>>
      tpu.enqueue_dma source(%dma_start3A_11 : memref<8x1024xf32, #tpu.memory_space<hbm>>) target(%arg5 : memref<8x1024xf32, #tpu.memory_space<vmem>>) target_semaphore(%run_scoped3A : memref<!tpu.dma_semaphore, #tpu.memory_space<semaphore_mem>>)
      %dma_wait3A = arith.constant 0 : i32
      %dma_wait3A_12 = tpu.memref_slice %arg2[%dma_wait3A, %mul3A_2] : memref<8x32768xf32, #tpu.memory_space<hbm>> -> memref<8x1024xf32, #tpu.memory_space<hbm>>
      %dma_wait3A_13 = arith.constant 0 : i32
      %dma_wait3A_14 = tpu.memref_slice %arg2[%dma_wait3A_13, %mul3A_2] : memref<8x32768xf32, #tpu.memory_space<hbm>> -> memref<8x1024xf32, #tpu.memory_space<hbm>>
      tpu.wait_dma2 semaphore(%run_scoped3A : memref<!tpu.dma_semaphore, #tpu.memory_space<semaphore_mem>>) src(%dma_wait3A_14 : memref<8x1024xf32, #tpu.memory_space<hbm>>) dst(%arg5 : memref<8x1024xf32, #tpu.memory_space<vmem>>)
      tpu.yield
    }) : () -> ()
    %broadcast_in_dim3A = arith.constant 0xFF800000 : f32
    %broadcast_in_dim3A_3 = vector.broadcast %broadcast_in_dim3A : f32 to vector<16xf32>
    %scan3A = arith.constant 0 : i32
    %scan3A_4 = arith.constant 0 : i32
    %scan3A_5 = arith.constant 64 : i32
    %scan3A_6 = arith.addi %scan3A_4, %scan3A_5 : i32
    %scan3A_7 = arith.constant 1 : i32
    scf.for %scan3A_9 = %scan3A_4 to %scan3A_6 step %scan3A_7  : i32 {
      %mul3A_10 = arith.constant 16 : i32
      %mul3A_11 = arith.muli %scan3A_9, %mul3A_10 : i32
      %get3A = arith.constant 0 : i32
      %get3A_12 = arith.index_cast %get3A : i32 to index
      %get3A_13 = arith.index_cast %mul3A_11 : i32 to index
      %get3A_14 = tpu.vector_load %arg5[%get3A_12, %get3A_13] {strides = array<i32>} : memref<8x1024xf32, #tpu.memory_space<vmem>>, vector<1x16xf32>,
      %get3A_15 = vector.shape_cast %get3A_14 : vector<1x16xf32> to vector<16xf32>
      %get3A_16 = arith.constant 1 : i32
      %get3A_17 = arith.index_cast %get3A_16 : i32 to index
      %get3A_18 = arith.index_cast %mul3A_11 : i32 to index
      %get3A_19 = tpu.vector_load %arg5[%get3A_17, %get3A_18] {strides = array<i32>} : memref<8x1024xf32, #tpu.memory_space<vmem>>, vector<1x16xf32>,
      %get3A_20 = vector.shape_cast %get3A_19 : vector<1x16xf32> to vector<16xf32>
      %get3A_21 = arith.constant 2 : i32
      %get3A_22 = arith.index_cast %get3A_21 : i32 to index
      %get3A_23 = arith.index_cast %mul3A_11 : i32 to index
      %get3A_24 = tpu.vector_load %arg5[%get3A_22, %get3A_23] {strides = array<i32>} : memref<8x1024xf32, #tpu.memory_space<vmem>>, vector<1x16xf32>,
      %get3A_25 = vector.shape_cast %get3A_24 : vector<1x16xf32> to vector<16xf32>
      %get3A_26 = arith.constant 3 : i32
      %get3A_27 = arith.index_cast %get3A_26 : i32 to index
      %get3A_28 = arith.index_cast %mul3A_11 : i32 to index
      %get3A_29 = tpu.vector_load %arg5[%get3A_27, %get3A_28] {strides = array<i32>} : memref<8x1024xf32, #tpu.memory_space<vmem>>, vector<1x16xf32>,
      %get3A_30 = vector.shape_cast %get3A_29 : vector<1x16xf32> to vector<16xf32>
      %get3A_31 = arith.constant 4 : i32
      %get3A_32 = arith.index_cast %get3A_31 : i32 to index
      %get3A_33 = arith.index_cast %mul3A_11 : i32 to index
      %get3A_34 = tpu.vector_load %arg5[%get3A_32, %get3A_33] {strides = array<i32>} : memref<8x1024xf32, #tpu.memory_space<vmem>>, vector<1x16xf32>,
      %get3A_35 = vector.shape_cast %get3A_34 : vector<1x16xf32> to vector<16xf32>
      %get3A_36 = arith.constant 5 : i32
      %get3A_37 = arith.index_cast %get3A_36 : i32 to index
      %get3A_38 = arith.index_cast %mul3A_11 : i32 to index
      %get3A_39 = tpu.vector_load %arg5[%get3A_37, %get3A_38] {strides = array<i32>} : memref<8x1024xf32, #tpu.memory_space<vmem>>, vector<1x16xf32>,
      %get3A_40 = vector.shape_cast %get3A_39 : vector<1x16xf32> to vector<16xf32>
      %get3A_41 = arith.constant 6 : i32
      %get3A_42 = arith.index_cast %get3A_41 : i32 to index
      %get3A_43 = arith.index_cast %mul3A_11 : i32 to index
      %get3A_44 = tpu.vector_load %arg5[%get3A_42, %get3A_43] {strides = array<i32>} : memref<8x1024xf32, #tpu.memory_space<vmem>>, vector<1x16xf32>,
      %get3A_45 = vector.shape_cast %get3A_44 : vector<1x16xf32> to vector<16xf32>
      %get3A_46 = arith.constant 7 : i32
      %get3A_47 = arith.index_cast %get3A_46 : i32 to index
      %get3A_48 = arith.index_cast %mul3A_11 : i32 to index
      %get3A_49 = tpu.vector_load %arg5[%get3A_47, %get3A_48] {strides = array<i32>} : memref<8x1024xf32, #tpu.memory_space<vmem>>, vector<1x16xf32>,
      %get3A_50 = vector.shape_cast %get3A_49 : vector<1x16xf32> to vector<16xf32>
      %max3A = arith.maximumf %get3A_15, %get3A_20 : vector<16xf32>
      %max3A_51 = arith.maximumf %max3A, %get3A_25 : vector<16xf32>
      %max3A_52 = arith.maximumf %max3A_51, %get3A_30 : vector<16xf32>
      %max3A_53 = arith.maximumf %max3A_52, %get3A_35 : vector<16xf32>
      %max3A_54 = arith.maximumf %max3A_53, %get3A_40 : vector<16xf32>
      %max3A_55 = arith.maximumf %max3A_54, %get3A_45 : vector<16xf32>
      %max3A_56 = arith.maximumf %max3A_55, %get3A_50 : vector<16xf32>
      %broadcast_in_dim3A_57 = arith.constant 7 : i32
      %broadcast_in_dim3A_58 = vector.broadcast %broadcast_in_dim3A_57 : i32 to vector<16xi32>
      %eq3A = arith.cmpf oeq, %get3A_45, %max3A_56 : vector<16xf32>
      %jit3A = arith.constant 6 : i32
      %broadcast_in_dim3A_59 = vector.broadcast %jit3A : i32 to vector<16xi32>
      %select_n3A = arith.select %eq3A, %broadcast_in_dim3A_59, %broadcast_in_dim3A_58 : vector<16xi1>, vector<16xi32>
      %eq3A_60 = arith.cmpf oeq, %get3A_40, %max3A_56 : vector<16xf32>
      %jit3A_61 = arith.constant 5 : i32
      %broadcast_in_dim3A_62 = vector.broadcast %jit3A_61 : i32 to vector<16xi32>
      %select_n3A_63 = arith.select %eq3A_60, %broadcast_in_dim3A_62, %select_n3A : vector<16xi1>, vector<16xi32>
      %eq3A_64 = arith.cmpf oeq, %get3A_35, %max3A_56 : vector<16xf32>
      %jit3A_65 = arith.constant 4 : i32
      %broadcast_in_dim3A_66 = vector.broadcast %jit3A_65 : i32 to vector<16xi32>
      %select_n3A_67 = arith.select %eq3A_64, %broadcast_in_dim3A_66, %select_n3A_63 : vector<16xi1>, vector<16xi32>
      %eq3A_68 = arith.cmpf oeq, %get3A_30, %max3A_56 : vector<16xf32>
      %jit3A_69 = arith.constant 3 : i32
      %broadcast_in_dim3A_70 = vector.broadcast %jit3A_69 : i32 to vector<16xi32>
      %select_n3A_71 = arith.select %eq3A_68, %broadcast_in_dim3A_70, %select_n3A_67 : vector<16xi1>, vector<16xi32>
      %eq3A_72 = arith.cmpf oeq, %get3A_25, %max3A_56 : vector<16xf32>
      %jit3A_73 = arith.constant 2 : i32
      %broadcast_in_dim3A_74 = vector.broadcast %jit3A_73 : i32 to vector<16xi32>
      %select_n3A_75 = arith.select %eq3A_72, %broadcast_in_dim3A_74, %select_n3A_71 : vector<16xi1>, vector<16xi32>
      %eq3A_76 = arith.cmpf oeq, %get3A_20, %max3A_56 : vector<16xf32>
      %jit3A_77 = arith.constant 1 : i32
      %broadcast_in_dim3A_78 = vector.broadcast %jit3A_77 : i32 to vector<16xi32>
      %select_n3A_79 = arith.select %eq3A_76, %broadcast_in_dim3A_78, %select_n3A_75 : vector<16xi1>, vector<16xi32>
      %eq3A_80 = arith.cmpf oeq, %get3A_15, %max3A_56 : vector<16xf32>
      %jit3A_81 = arith.constant 0 : i32
      %broadcast_in_dim3A_82 = vector.broadcast %jit3A_81 : i32 to vector<16xi32>
      %select_n3A_83 = arith.select %eq3A_80, %broadcast_in_dim3A_82, %select_n3A_79 : vector<16xi1>, vector<16xi32>
      %eq3A_84 = arith.constant 0 : i32
      %eq3A_85 = vector.broadcast %eq3A_84 : i32 to vector<16xi32>
      %eq3A_86 = arith.cmpi eq, %select_n3A_83, %eq3A_85 : vector<16xi32>
      %select_n3A_87 = arith.select %eq3A_86, %broadcast_in_dim3A_3, %get3A_15 : vector<16xi1>, vector<16xf32>
      %max3A_88 = arith.maximumf %broadcast_in_dim3A_3, %select_n3A_87 : vector<16xf32>
      %eq3A_89 = arith.constant 1 : i32
      %eq3A_90 = vector.broadcast %eq3A_89 : i32 to vector<16xi32>
      %eq3A_91 = arith.cmpi eq, %select_n3A_83, %eq3A_90 : vector<16xi32>
      %select_n3A_92 = arith.select %eq3A_91, %broadcast_in_dim3A_3, %get3A_20 : vector<16xi1>, vector<16xf32>
      %max3A_93 = arith.maximumf %max3A_88, %select_n3A_92 : vector<16xf32>
      %eq3A_94 = arith.constant 2 : i32
      %eq3A_95 = vector.broadcast %eq3A_94 : i32 to vector<16xi32>
      %eq3A_96 = arith.cmpi eq, %select_n3A_83, %eq3A_95 : vector<16xi32>
      %select_n3A_97 = arith.select %eq3A_96, %broadcast_in_dim3A_3, %get3A_25 : vector<16xi1>, vector<16xf32>
      %max3A_98 = arith.maximumf %max3A_93, %select_n3A_97 : vector<16xf32>
      %eq3A_99 = arith.constant 3 : i32
      %eq3A_100 = vector.broadcast %eq3A_99 : i32 to vector<16xi32>
      %eq3A_101 = arith.cmpi eq, %select_n3A_83, %eq3A_100 : vector<16xi32>
      %select_n3A_102 = arith.select %eq3A_101, %broadcast_in_dim3A_3, %get3A_30 : vector<16xi1>, vector<16xf32>
      %max3A_103 = arith.maximumf %max3A_98, %select_n3A_102 : vector<16xf32>
      %eq3A_104 = arith.constant 4 : i32
      %eq3A_105 = vector.broadcast %eq3A_104 : i32 to vector<16xi32>
      %eq3A_106 = arith.cmpi eq, %select_n3A_83, %eq3A_105 : vector<16xi32>
      %select_n3A_107 = arith.select %eq3A_106, %broadcast_in_dim3A_3, %get3A_35 : vector<16xi1>, vector<16xf32>
      %max3A_108 = arith.maximumf %max3A_103, %select_n3A_107 : vector<16xf32>
      %eq3A_109 = arith.constant 5 : i32
      %eq3A_110 = vector.broadcast %eq3A_109 : i32 to vector<16xi32>
      %eq3A_111 = arith.cmpi eq, %select_n3A_83, %eq3A_110 : vector<16xi32>
      %select_n3A_112 = arith.select %eq3A_111, %broadcast_in_dim3A_3, %get3A_40 : vector<16xi1>, vector<16xf32>
      %max3A_113 = arith.maximumf %max3A_108, %select_n3A_112 : vector<16xf32>
      %eq3A_114 = arith.constant 6 : i32
      %eq3A_115 = vector.broadcast %eq3A_114 : i32 to vector<16xi32>
      %eq3A_116 = arith.cmpi eq, %select_n3A_83, %eq3A_115 : vector<16xi32>
      %select_n3A_117 = arith.select %eq3A_116, %broadcast_in_dim3A_3, %get3A_45 : vector<16xi1>, vector<16xf32>
      %max3A_118 = arith.maximumf %max3A_113, %select_n3A_117 : vector<16xf32>
      %eq3A_119 = arith.constant 7 : i32
      %eq3A_120 = vector.broadcast %eq3A_119 : i32 to vector<16xi32>
      %eq3A_121 = arith.cmpi eq, %select_n3A_83, %eq3A_120 : vector<16xi32>
      %select_n3A_122 = arith.select %eq3A_121, %broadcast_in_dim3A_3, %get3A_50 : vector<16xi1>, vector<16xf32>
      %max3A_123 = arith.maximumf %max3A_118, %select_n3A_122 : vector<16xf32>
      %broadcast_in_dim3A_124 = arith.constant 0 : i32
      %broadcast_in_dim3A_125 = vector.broadcast %broadcast_in_dim3A_124 : i32 to vector<16xi32>
      %eq3A_126 = arith.cmpf oeq, %get3A_50, %max3A_123 : vector<16xf32>
      %ne3A = arith.constant 7 : i32
      %ne3A_127 = vector.broadcast %ne3A : i32 to vector<16xi32>
      %ne3A_128 = arith.cmpi ne, %select_n3A_83, %ne3A_127 : vector<16xi32>
      %and3A = arith.andi %eq3A_126, %ne3A_128 : vector<16xi1>
      %jit3A_129 = arith.constant 7 : i32
      %broadcast_in_dim3A_130 = vector.broadcast %jit3A_129 : i32 to vector<16xi32>
      %select_n3A_131 = arith.select %and3A, %broadcast_in_dim3A_130, %broadcast_in_dim3A_125 : vector<16xi1>, vector<16xi32>
      %eq3A_132 = arith.cmpf oeq, %get3A_45, %max3A_123 : vector<16xf32>
      %ne3A_133 = arith.constant 6 : i32
      %ne3A_134 = vector.broadcast %ne3A_133 : i32 to vector<16xi32>
      %ne3A_135 = arith.cmpi ne, %select_n3A_83, %ne3A_134 : vector<16xi32>
      %and3A_136 = arith.andi %eq3A_132, %ne3A_135 : vector<16xi1>
      %jit3A_137 = arith.constant 6 : i32
      %broadcast_in_dim3A_138 = vector.broadcast %jit3A_137 : i32 to vector<16xi32>
      %select_n3A_139 = arith.select %and3A_136, %broadcast_in_dim3A_138, %select_n3A_131 : vector<16xi1>, vector<16xi32>
      %eq3A_140 = arith.cmpf oeq, %get3A_40, %max3A_123 : vector<16xf32>
      %ne3A_141 = arith.constant 5 : i32
      %ne3A_142 = vector.broadcast %ne3A_141 : i32 to vector<16xi32>
      %ne3A_143 = arith.cmpi ne, %select_n3A_83, %ne3A_142 : vector<16xi32>
      %and3A_144 = arith.andi %eq3A_140, %ne3A_143 : vector<16xi1>
      %jit3A_145 = arith.constant 5 : i32
      %broadcast_in_dim3A_146 = vector.broadcast %jit3A_145 : i32 to vector<16xi32>
      %select_n3A_147 = arith.select %and3A_144, %broadcast_in_dim3A_146, %select_n3A_139 : vector<16xi1>, vector<16xi32>
      %eq3A_148 = arith.cmpf oeq, %get3A_35, %max3A_123 : vector<16xf32>
      %ne3A_149 = arith.constant 4 : i32
      %ne3A_150 = vector.broadcast %ne3A_149 : i32 to vector<16xi32>
      %ne3A_151 = arith.cmpi ne, %select_n3A_83, %ne3A_150 : vector<16xi32>
      %and3A_152 = arith.andi %eq3A_148, %ne3A_151 : vector<16xi1>
      %jit3A_153 = arith.constant 4 : i32
      %broadcast_in_dim3A_154 = vector.broadcast %jit3A_153 : i32 to vector<16xi32>
      %select_n3A_155 = arith.select %and3A_152, %broadcast_in_dim3A_154, %select_n3A_147 : vector<16xi1>, vector<16xi32>
      %eq3A_156 = arith.cmpf oeq, %get3A_30, %max3A_123 : vector<16xf32>
      %ne3A_157 = arith.constant 3 : i32
      %ne3A_158 = vector.broadcast %ne3A_157 : i32 to vector<16xi32>
      %ne3A_159 = arith.cmpi ne, %select_n3A_83, %ne3A_158 : vector<16xi32>
      %and3A_160 = arith.andi %eq3A_156, %ne3A_159 : vector<16xi1>
      %jit3A_161 = arith.constant 3 : i32
      %broadcast_in_dim3A_162 = vector.broadcast %jit3A_161 : i32 to vector<16xi32>
      %select_n3A_163 = arith.select %and3A_160, %broadcast_in_dim3A_162, %select_n3A_155 : vector<16xi1>, vector<16xi32>
      %eq3A_164 = arith.cmpf oeq, %get3A_25, %max3A_123 : vector<16xf32>
      %ne3A_165 = arith.constant 2 : i32
      %ne3A_166 = vector.broadcast %ne3A_165 : i32 to vector<16xi32>
      %ne3A_167 = arith.cmpi ne, %select_n3A_83, %ne3A_166 : vector<16xi32>
      %and3A_168 = arith.andi %eq3A_164, %ne3A_167 : vector<16xi1>
      %jit3A_169 = arith.constant 2 : i32
      %broadcast_in_dim3A_170 = vector.broadcast %jit3A_169 : i32 to vector<16xi32>
      %select_n3A_171 = arith.select %and3A_168, %broadcast_in_dim3A_170, %select_n3A_163 : vector<16xi1>, vector<16xi32>
      %eq3A_172 = arith.cmpf oeq, %get3A_20, %max3A_123 : vector<16xf32>
      %ne3A_173 = arith.constant 1 : i32
      %ne3A_174 = vector.broadcast %ne3A_173 : i32 to vector<16xi32>
      %ne3A_175 = arith.cmpi ne, %select_n3A_83, %ne3A_174 : vector<16xi32>
      %and3A_176 = arith.andi %eq3A_172, %ne3A_175 : vector<16xi1>
      %jit3A_177 = arith.constant 1 : i32
      %broadcast_in_dim3A_178 = vector.broadcast %jit3A_177 : i32 to vector<16xi32>
      %select_n3A_179 = arith.select %and3A_176, %broadcast_in_dim3A_178, %select_n3A_171 : vector<16xi1>, vector<16xi32>
      %eq3A_180 = arith.cmpf oeq, %get3A_15, %max3A_123 : vector<16xf32>
      %ne3A_181 = arith.constant 0 : i32
      %ne3A_182 = vector.broadcast %ne3A_181 : i32 to vector<16xi32>
      %ne3A_183 = arith.cmpi ne, %select_n3A_83, %ne3A_182 : vector<16xi32>
      %and3A_184 = arith.andi %eq3A_180, %ne3A_183 : vector<16xi1>
      %jit3A_185 = arith.constant 0 : i32
      %broadcast_in_dim3A_186 = vector.broadcast %jit3A_185 : i32 to vector<16xi32>
      %select_n3A_187 = arith.select %and3A_184, %broadcast_in_dim3A_186, %select_n3A_179 : vector<16xi1>, vector<16xi32>
      %sub3A = arith.subf %max3A_123, %max3A_56 : vector<16xf32>
      %exp3A = math.exp %sub3A : vector<16xf32>
      %add3A_188 = arith.constant 1.000000e+00 : f32
      %add3A_189 = vector.broadcast %add3A_188 : f32 to vector<16xf32>
      %add3A_190 = arith.addf %add3A_189, %exp3A : vector<16xf32>
      %div3A = arith.constant 1.000000e+00 : f32
      %div3A_191 = vector.broadcast %div3A : f32 to vector<16xf32>
      %div3A_192 = arith.divf %div3A_191, %add3A_190 : vector<16xf32>
      %swap3A = arith.constant 0 : i32
      %swap3A_193 = arith.index_cast %swap3A : i32 to index
      %swap3A_194 = arith.index_cast %mul3A_11 : i32 to index
      %swap3A_195 = tpu.vector_load %arg6[%swap3A_193, %swap3A_194] {strides = array<i32>} : memref<2x1024xf32, #tpu.memory_space<vmem>>, vector<1x16xf32>,
      %swap3A_196 = vector.shape_cast %swap3A_195 : vector<1x16xf32> to vector<16xf32>
      %swap3A_197 = vector.shape_cast %div3A_192 : vector<16xf32> to vector<1x16xf32>
      tpu.vector_store %arg6[%swap3A_193, %swap3A_194], %swap3A_197 {strides = array<i32>} : memref<2x1024xf32, #tpu.memory_space<vmem>>, vector<1x16xf32>,
      %sub3A_198 = arith.constant 1.000000e+00 : f32
      %sub3A_199 = vector.broadcast %sub3A_198 : f32 to vector<16xf32>
      %sub3A_200 = arith.subf %sub3A_199, %div3A_192 : vector<16xf32>
      %swap3A_201 = arith.constant 1 : i32
      %swap3A_202 = arith.index_cast %swap3A_201 : i32 to index
      %swap3A_203 = arith.index_cast %mul3A_11 : i32 to index
      %swap3A_204 = tpu.vector_load %arg6[%swap3A_202, %swap3A_203] {strides = array<i32>} : memref<2x1024xf32, #tpu.memory_space<vmem>>, vector<1x16xf32>,
      %swap3A_205 = vector.shape_cast %swap3A_204 : vector<1x16xf32> to vector<16xf32>
      %swap3A_206 = vector.shape_cast %sub3A_200 : vector<16xf32> to vector<1x16xf32>
      tpu.vector_store %arg6[%swap3A_202, %swap3A_203], %swap3A_206 {strides = array<i32>} : memref<2x1024xf32, #tpu.memory_space<vmem>>, vector<1x16xf32>,
      %swap3A_207 = arith.constant 0 : i32
      %swap3A_208 = arith.index_cast %swap3A_207 : i32 to index
      %swap3A_209 = arith.index_cast %mul3A_11 : i32 to index
      %swap3A_210 = tpu.vector_load %arg7[%swap3A_208, %swap3A_209] {strides = array<i32>} : memref<2x1024xi32, #tpu.memory_space<vmem>>, vector<1x16xi32>,
      %swap3A_211 = vector.shape_cast %swap3A_210 : vector<1x16xi32> to vector<16xi32>
      %swap3A_212 = vector.shape_cast %select_n3A_83 : vector<16xi32> to vector<1x16xi32>
      tpu.vector_store %arg7[%swap3A_208, %swap3A_209], %swap3A_212 {strides = array<i32>} : memref<2x1024xi32, #tpu.memory_space<vmem>>, vector<1x16xi32>,
      %swap3A_213 = arith.constant 1 : i32
      %swap3A_214 = arith.index_cast %swap3A_213 : i32 to index
      %swap3A_215 = arith.index_cast %mul3A_11 : i32 to index
      %swap3A_216 = tpu.vector_load %arg7[%swap3A_214, %swap3A_215] {strides = array<i32>} : memref<2x1024xi32, #tpu.memory_space<vmem>>, vector<1x16xi32>,
      %swap3A_217 = vector.shape_cast %swap3A_216 : vector<1x16xi32> to vector<16xi32>
      %swap3A_218 = vector.shape_cast %select_n3A_187 : vector<16xi32> to vector<1x16xi32>
      tpu.vector_store %arg7[%swap3A_214, %swap3A_215], %swap3A_218 {strides = array<i32>} : memref<2x1024xi32, #tpu.memory_space<vmem>>, vector<1x16xi32>,
    }
    %scan3A_8 = arith.constant 64 : i32
    "tpu.region"() ({
      %run_scoped3A = tpu.sem_alloc : memref<!tpu.dma_semaphore, #tpu.memory_space<semaphore_mem>>
      %dma_start3A = arith.constant 0 : i32
      %dma_start3A_9 = tpu.memref_slice %arg3[%dma_start3A, %mul3A_2] : memref<2x32768xf32, #tpu.memory_space<hbm>> -> memref<2x1024xf32, #tpu.memory_space<hbm>>
      %dma_start3A_10 = arith.constant 0 : i32
      %dma_start3A_11 = tpu.memref_slice %arg3[%dma_start3A_10, %mul3A_2] : memref<2x32768xf32, #tpu.memory_space<hbm>> -> memref<2x1024xf32, #tpu.memory_space<hbm>>
      tpu.enqueue_dma source(%arg6 : memref<2x1024xf32, #tpu.memory_space<vmem>>) target(%dma_start3A_11 : memref<2x1024xf32, #tpu.memory_space<hbm>>) target_semaphore(%run_scoped3A : memref<!tpu.dma_semaphore, #tpu.memory_space<semaphore_mem>>)
      %dma_wait3A = arith.constant 0 : i32
      %dma_wait3A_12 = tpu.memref_slice %arg3[%dma_wait3A, %mul3A_2] : memref<2x32768xf32, #tpu.memory_space<hbm>> -> memref<2x1024xf32, #tpu.memory_space<hbm>>
      %dma_wait3A_13 = arith.constant 0 : i32
      %dma_wait3A_14 = tpu.memref_slice %arg3[%dma_wait3A_13, %mul3A_2] : memref<2x32768xf32, #tpu.memory_space<hbm>> -> memref<2x1024xf32, #tpu.memory_space<hbm>>
      tpu.wait_dma2 semaphore(%run_scoped3A : memref<!tpu.dma_semaphore, #tpu.memory_space<semaphore_mem>>) src(%arg6 : memref<2x1024xf32, #tpu.memory_space<vmem>>) dst(%dma_wait3A_14 : memref<2x1024xf32, #tpu.memory_space<hbm>>)
      tpu.yield
    }) : () -> ()
    "tpu.region"() ({
      %run_scoped3A = tpu.sem_alloc : memref<!tpu.dma_semaphore, #tpu.memory_space<semaphore_mem>>
      %dma_start3A = arith.constant 0 : i32
      %dma_start3A_9 = tpu.memref_slice %arg4[%dma_start3A, %mul3A_2] : memref<2x32768xi32, #tpu.memory_space<hbm>> -> memref<2x1024xi32, #tpu.memory_space<hbm>>
      %dma_start3A_10 = arith.constant 0 : i32
      %dma_start3A_11 = tpu.memref_slice %arg4[%dma_start3A_10, %mul3A_2] : memref<2x32768xi32, #tpu.memory_space<hbm>> -> memref<2x1024xi32, #tpu.memory_space<hbm>>
      tpu.enqueue_dma source(%arg7 : memref<2x1024xi32, #tpu.memory_space<vmem>>) target(%dma_start3A_11 : memref<2x1024xi32, #tpu.memory_space<hbm>>) target_semaphore(%run_scoped3A : memref<!tpu.dma_semaphore, #tpu.memory_space<semaphore_mem>>)
      %dma_wait3A = arith.constant 0 : i32
      %dma_wait3A_12 = tpu.memref_slice %arg4[%dma_wait3A, %mul3A_2] : memref<2x32768xi32, #tpu.memory_space<hbm>> -> memref<2x1024xi32, #tpu.memory_space<hbm>>
      %dma_wait3A_13 = arith.constant 0 : i32
      %dma_wait3A_14 = tpu.memref_slice %arg4[%dma_wait3A_13, %mul3A_2] : memref<2x32768xi32, #tpu.memory_space<hbm>> -> memref<2x1024xi32, #tpu.memory_space<hbm>>
      tpu.wait_dma2 semaphore(%run_scoped3A : memref<!tpu.dma_semaphore, #tpu.memory_space<semaphore_mem>>) src(%arg7 : memref<2x1024xi32, #tpu.memory_space<vmem>>) dst(%dma_wait3A_14 : memref<2x1024xi32, #tpu.memory_space<hbm>>)
      tpu.yield
    }) : () -> ()
    return
  }
}

module attributes {stable_mosaic.version = 14 : i64} {
  func.func @_gate_block(%arg0: i32, %arg1: memref<4096x768xf32, #tpu.memory_space<vmem>>, %arg2: memref<8x768xf32, #tpu.memory_space<vmem>>, %arg3: memref<1x8xf32, #tpu.memory_space<vmem>>, %arg4: memref<8x4096xf32, #tpu.memory_space<vmem>>) attributes {dimension_semantics = [#tpu.dimension_semantics<arbitrary>], iteration_bounds = array<i64: 8>, scalar_prefetch = 0 : i64, scratch_operands = 0 : i64, tpu.core_type = #tpu.core_type<tc>, window_params = [{transform_indices = @transform_0, window_bounds = array<i64: 4096, 768>}, {pipeline_mode = #tpu.pipeline_mode<synchronous>, transform_indices = @transform_1, window_bounds = array<i64: 8, 768>}, {pipeline_mode = #tpu.pipeline_mode<synchronous>, transform_indices = @transform_2, window_bounds = array<i64: 1, 8>}, {transform_indices = @transform_3, window_bounds = array<i64: 8, 4096>}]} {
    %get3A = arith.constant 0 : index
    %get3A_0 = arith.constant 0 : index
    %get3A_1 = vector.load %arg1[%get3A, %get3A_0] : memref<4096x768xf32, #tpu.memory_space<vmem>>, vector<4096x768xf32>
    %get3A_2 = arith.constant 0 : index
    %get3A_3 = arith.constant 0 : index
    %get3A_4 = vector.load %arg2[%get3A_2, %get3A_3] : memref<8x768xf32, #tpu.memory_space<vmem>>, vector<8x768xf32>
    %dot_general3A = arith.constant dense<0.000000e+00> : vector<4096x8xf32>
    %dot_general3A_5 = tpu.matmul %get3A_1, %get3A_4, %dot_general3A {dimension_numbers = #tpu.dot_dimension_numbers<[1], [1], [0], [0], [0, 0, 1, 0], [], []>, transpose_lhs_hint = false} : vector<4096x768xf32>, vector<8x768xf32>, vector<4096x8xf32> -> vector<4096x8xf32>
    %get3A_6 = arith.constant 0 : index
    %get3A_7 = arith.constant 0 : index
    %get3A_8 = vector.load %arg3[%get3A_6, %get3A_7] : memref<1x8xf32, #tpu.memory_space<vmem>>, vector<1x8xf32>
    %add3A = vector.broadcast %get3A_8 : vector<1x8xf32> to vector<4096x8xf32>
    %add3A_9 = arith.addf %dot_general3A_5, %add3A : vector<4096x8xf32>
    %transpose3A = tpu.transpose %add3A_9, [1, 0] : vector<4096x8xf32> -> vector<8x4096xf32>
    %swap3A = arith.constant 0 : index
    %swap3A_10 = arith.constant 0 : index
    %swap3A_11 = vector.load %arg4[%swap3A, %swap3A_10] : memref<8x4096xf32, #tpu.memory_space<vmem>>, vector<8x4096xf32>
    tpu.vector_store %arg4[%swap3A, %swap3A_10], %transpose3A {strides = array<i32>} : memref<8x4096xf32, #tpu.memory_space<vmem>>, vector<8x4096xf32>,
    return
  }
  func.func @transform_0(%arg0: i32) -> (i32, i32) {
    %c0_i32 = arith.constant 0 : i32
    %c0_i32_0 = arith.constant 0 : i32
    return %arg0, %c0_i32 : i32, i32
  }
  func.func @transform_1(%arg0: i32) -> (i32, i32) {
    %c0_i32 = arith.constant 0 : i32
    %c0_i32_0 = arith.constant 0 : i32
    %c0_i32_1 = arith.constant 0 : i32
    return %c0_i32, %c0_i32_0 : i32, i32
  }
  func.func @transform_2(%arg0: i32) -> (i32, i32) {
    %c0_i32 = arith.constant 0 : i32
    %c0_i32_0 = arith.constant 0 : i32
    %c0_i32_1 = arith.constant 0 : i32
    return %c0_i32, %c0_i32_0 : i32, i32
  }
  func.func @transform_3(%arg0: i32) -> (i32, i32) {
    %c0_i32 = arith.constant 0 : i32
    %c0_i32_0 = arith.constant 0 : i32
    return %c0_i32, %arg0 : i32, i32
  }
}

</mosaic_0001>

<sc_bundles>
// kernel: kernel.4.cloned.1.call-start
scs
__scs_entry_jumppad:
0x0: {  	(pc) =	sbr.rel $0x88, $3  }
0x1: {  	(tag) =	ssettag $0x0;
	lr =	simm.s32 $0x1  }
0x2: {  	[smem:$0x3F9E] =	sst lr;
	_ =	strace $0xD0000000  }
0x3: {  	_ = 	snop  }
0x4: {  	_ = 	snop  }
0x5: {  	_ = 	snop  }
0x6: {  	_ = 	snop  }
0x7: {  	_ = 	snop  }
__scs_overlays_trampoline_lowered:
0x8: {  	[smem:$0x3FAD] =	sst s0  }
0x9: {  	[smem:$0x3FAE] =	sst s1  }
0xa: {  	[smem:$0x3FAF] =	sst s2  }
0xb: {  	[smem:$0x3FB0] =	sst s3  }
0xc: {  	[smem:$0x3FB1] =	sst s4  }
0xd: {  	[smem:$0x3FB2] =	sst s5  }
0xe: {  	[smem:$0x3FB3] =	sst s6  }
0xf: {  	[smem:$0x3FB4] =	sst s7  }
0x10: {  	[smem:$0x3FB5] =	sst s8  }
0x11: {  	[smem:$0x3FB6] =	sst s9;
	s0 =	simm.s32 @!p0 $0x0  }
0x12: {  	s1 =	sld [smem:$0x3F9C];
	s0 =	simm.s32 @p0 $0x1  }
0x13: {  	[smem:$0x3FB7] =	sst s0;
	s0 =	simm.s32 @!p1 $0x0  }
0x14: {  	s2 =	sld [smem:$0x3F9B];
	s0 =	simm.s32 @p1 $0x1  }
0x15: {  	[smem:$0x3FB8] =	sst s0;
	s0 =	simm.s32 @!p2 $0x0  }
0x16: {  	s3 =	sld [smem:$0x3FDB];
	s0 =	simm.s32 @p2 $0x1  }
0x17: {  	s4 =	simm.s32 $0x1BF5;
	[smem:$0x3FBA] =	sst s0  }
0x18: {  	s0 =	sld [smem:$0x3F9D];
	_ =	swait.ge [sflag:s4], $0x0  }
0x19: {  	s7 =	sld [smem:$0x3F9E]  }
0x1a: {  	s8 =	sadd.s32 $0xFFFFE003, lr  }
0x1b: {  	s9 =	sadd.s32 $0xFFFFFEF7, lr;
	s5 =	simm.s32 $0xFFFFFFFF;
	p2 =	slt.u32 s8, $0xFFFFF086  }
0x1c: {  	p1 =	slt.u32 s9, $0xF7A;
	s5 =	simm.s32 @!p2 $0x0  }
0x1d: {  	s5 =	simm.s32 @p1 $0x1;
	p0 =	seq.s32 s7, s2  }
0x1e: {  	s7 =	smul.u32 @!p0 $0xF7A, s2;
	p2 =	seq.s32 @!p0 s5, $0x0  }
0x1f: {  	s9 =	smul.u32 $0xF7A, s1;
	s8 =	simm.s32 @!p0 $0x1BF5;
	p2 =	por !p2, p0  }
0x20: {  	[sflag:s8] =	ssyncset.s32 @!p0 $0xFFFFF086;
	s6 =	sadd.s32 @!p0 s3, s7;
	s7 =	simm.s32 @!p0 $0x108  }
0x21: {  	s3 =	sadd.s32 s3, s9;
	s6 =	sadd.s32 @!p0 $0x88, s6;
	s7 =	simm.s32 @p2 $0x1082  }
0x22: {  	[simem:s7], [sflag:s8] =	dma.local @!p0 [hbm:s6], $0xF7A  }
0x23: {  	s9 =	sor.u32 $0xD0000000, s2;
	s6 =	simm.s32 $0x108;
	_ =	swait.ge @!p0 [sflag:s8], $0x0  }
0x24: {  	s3 =	sadd.s32 $0x88, s3;
	s6 =	simm.s32 @!p1 $0x1082;
	[sflag:s4] =	ssyncset.s32 $0xFFFFF086  }
0x25: {  	[simem:s6], [sflag:s4] =	dma.local [hbm:s3], $0xF7A  }
0x26: {  	[smem:$0x3F9E] =	sst s1;
	(tag) =	ssettag s2;
	_ =	strace s9  }
0x27: {  	s1 =	sld [smem:$0x3FAE]  }
0x28: {  	s2 =	sld [smem:$0x3FAF]  }
0x29: {  	s4 =	sld [smem:$0x3FB1]  }
0x2a: {  	p0 =	seq.s32 s5, $0x0;
	s5 =	sld [smem:$0x3FB2]  }
0x2b: {  	s6 =	sld [smem:$0x3FB3]  }
0x2c: {  	s7 =	sld [smem:$0x3FB4]  }
0x2d: {  	s3 =	simm.s32 $0x108;
	s8 =	sld [smem:$0x3FB5]  }
0x2e: {  	s3 =	simm.s32 @!p0 $0x1082;
	s9 =	sld [smem:$0x3FB6]  }
0x2f: {  	lr =	sadd.s32 s0, s3;
	s0 =	sld [smem:$0x3FAD]  }
0x30: {  	s3 =	sld [smem:$0x3FB0]  }
0x31: {  	[smem:$0x3FB9] =	sst s10  }
0x32: {  	s10 =	sld [smem:$0x3FB7];
	_ =	sdelay $0x3  }
0x33: {  	p0 =	seq.s32 s10, $0x1;
	s10 =	sld [smem:$0x3FB9];
	_ =	sdelay $0x3  }
0x34: {  	[smem:$0x3FB9] =	sst s10  }
0x35: {  	s10 =	sld [smem:$0x3FB8];
	_ =	sdelay $0x3  }
0x36: {  	p1 =	seq.s32 s10, $0x1;
	s10 =	sld [smem:$0x3FB9];
	_ =	sdelay $0x3  }
0x37: {  	[smem:$0x3FB9] =	sst s10  }
0x38: {  	s10 =	sld [smem:$0x3FBA]  }
0x39: {  	_ = 	snop;
	(pc) =	sbr.ind lr, $3  }
0x3a: {  	_ = 	snop  }
0x3b: {  	_ = 	snop  }
0x3c: {  	p2 =	seq.s32 s10, $0x1;
	s10 =	sld [smem:$0x3FB9]  }
0x3d: {  	_ =	shalt  }
0x3e: {  	_ =	shalt  }
0x3f: {  	_ =	shalt  }
0x40: {  	_ =	shalt  }
0x41: {  	_ =	shalt  }
0x42: {  	_ =	shalt  }
0x43: {  	_ =	shalt  }
0x44: {  	_ =	shalt  }
0x45: {  	_ =	shalt  }
0x46: {  	_ =	shalt  }
0x47: {  	_ =	shalt  }
0x48: {  	_ =	shalt  }
0x49: {  	_ =	shalt  }
0x4a: {  	_ =	shalt  }
0x4b: {  	_ =	shalt  }
0x4c: {  	_ =	shalt  }
0x4d: {  	_ =	shalt  }
0x4e: {  	_ =	shalt  }
0x4f: {  	_ =	shalt  }
0x50: {  	_ =	shalt  }
0x51: {  	_ =	shalt  }
0x52: {  	_ =	shalt  }
0x53: {  	_ =	shalt  }
0x54: {  	_ =	shalt  }
0x55: {  	_ =	shalt  }
0x56: {  	_ =	shalt  }
0x57: {  	_ =	shalt  }
0x58: {  	_ =	shalt  }
0x59: {  	_ =	shalt  }
0x5a: {  	_ =	shalt  }
0x5b: {  	_ =	shalt  }
0x5c: {  	_ =	shalt  }
0x5d: {  	_ =	shalt  }
0x5e: {  	_ =	shalt  }
0x5f: {  	_ =	shalt  }
0x60: {  	_ =	shalt  }
0x61: {  	_ =	shalt  }
0x62: {  	_ =	shalt  }
0x63: {  	_ =	shalt  }
0x64: {  	_ =	shalt  }
0x65: {  	_ =	shalt  }
0x66: {  	_ =	shalt  }
0x67: {  	_ =	shalt  }
0x68: {  	_ =	shalt  }
0x69: {  	_ =	shalt  }
0x6a: {  	_ =	shalt  }
0x6b: {  	_ =	shalt  }
0x6c: {  	_ =	shalt  }
0x6d: {  	_ =	shalt  }
0x6e: {  	_ =	shalt  }
0x6f: {  	_ =	shalt  }
0x70: {  	_ =	shalt  }
0x71: {  	_ =	shalt  }
0x72: {  	_ =	shalt  }
0x73: {  	_ =	shalt  }
0x74: {  	_ =	shalt  }
0x75: {  	_ =	shalt  }
0x76: {  	_ =	shalt  }
0x77: {  	_ =	shalt  }
0x78: {  	_ =	shalt  }
0x79: {  	_ =	shalt  }
0x7a: {  	_ =	shalt  }
0x7b: {  	_ =	shalt  }
0x7c: {  	_ =	shalt  }
0x7d: {  	_ =	shalt  }
0x7e: {  	_ =	shalt  }
0x7f: {  	_ =	shalt  }
0x80: {  	_ =	shalt  }
0x81: {  	_ =	shalt  }
0x82: {  	_ =	shalt  }
0x83: {  	_ =	shalt  }
0x84: {  	_ =	shalt  }
0x85: {  	_ =	shalt  }
0x86: {  	_ =	shalt  }
0x87: {  	_ =	shalt  }
.Lfunc_end0:
.L_simem_size_0:
called_computation_lowered:
.L_overlay_start_0:
0x88: {  	s2 =	sld [smem:$0x3FD9]  }
0x89: {  	s3 =	sld [smem:$0x3FFE];
	_ =	sdelay $0x1  }
0x8a: {  	s1 =	srdreg.scid  }
0x8b: {  	s0 =	sand.u32 $0x1, s1  }
0x8c: {  	s15 =	sshll.u32 s0, $0xA;
	s2 =	sadd.s32 s3, s2  }
0x8d: {  	s2 =	sadd.s32 s2, s15  }
0x8e: {  	[smem:$0x3FC5] =	sst s2  }
0x8f: {  	_ = 	snop  }
0x90: {  	s2 =	sld [smem:$0x3FD0];
	_ =	sdelay $0x2  }
0x91: {  	s16 =	simm.s32 $0xA;
	s4 =	simm.s32 $0x10  }
0x92: {  	[smem:s4], [sflag:s16] =	dma.local [hbm:s2], $0x1  }
0x93: {  	_ =	swait.eq [sflag:s16], $0x1  }
0x94: {  	s17 =	sld [smem:$0x10];
	[sflag:s16] =	ssyncset.done $0x0  }
0x95: {  	s18 =	sld [smem:$0x11];
	[sflag:s16] =	ssyncadd.s32 $0xFFFFFFFF  }
0x96: {  	s19 =	sld [smem:$0x12];
	(tm) =	ssettm $0x1  }
0x97: {  	s5 =	sld [smem:$0x3FFB];
	_ =	sdelay $0x3  }
0x98: {  	_ =	strace s5  }
0x99: {  	s5 =	sld [smem:$0x3FFC];
	_ =	sdelay $0x3  }
0x9a: {  	_ =	strace s5  }
0x9b: {  	s5 =	sld [smem:$0x3FFD];
	_ =	sdelay $0x3  }
0x9c: {  	_ =	strace s5  }
0x9d: {  	_ =	strace $0x8FFFFFFF  }
0x9e: {  	s20 =	sld [smem:$0x3FDB];
	_ =	sdelay $0x1  }
0x9f: {  	s6 =	simm.s32 $_scs_section_size  }
0xa0: {  	s7 =	simm.s32 $_size__tile_overlayer_lowered;
	s8 =	simm.s32 $_tile_overlayer_lowered  }
0xa1: {  	s23 =	simm.s32 $0x1BFF;
	s22 =	sshll.u32 s8, $0x1;
	s5 =	sadd.s32 s6, s20  }
0xa2: {  	s9 =	simm.s32 $0x0;
	s21 =	sshll.u32 s7, $0x1;
	s7 =	sadd.s32 s22, s5  }
0xa3: {  	[timem:s9], [sflag:s23] =	dma.local [hbm:s7], s21  }
0xa4: {  	_ =	swait.ge [sflag:s23], s21  }
0xa5: {  	s6 =	ssub.s32 $0x0, s21;
	[sflag:s23] =	ssyncset.done $0x0  }
0xa6: {  	[sflag:s23] =	ssyncadd.s32 s6;
	_ =	sdelay $0x1  }
0xa7: {  	s24 =	simm.s32 $0x1B8B  }
0xa8: {  	_ =	swait.ge [sflag:s24], $0x1  }
0xa9: {  	[sflag:s24] =	ssyncset.done $0x0  }
0xaa: {  	s25 =	simm.s32 $0x1B8E;
	[sflag:s24] =	ssyncadd.s32 $0xFFFFFFFF  }
0xab: {  	s26 =	simm.s32 $execute0_lowered;
	[smem:$0x3FD2] =	sst s25  }
0xac: {  	s6 =	sshll.u32 s26, $0x1;
	_ =	strace $0x80000046;
	[dreg:$0x1] =	wrdreg $0xFFFFFFFF  }
0xad: {  	s28 =	simm.s32 $_size_execute0_lowered;
	s5 =	sadd.s32 s5, s6;
	[dreg:$0x0] =	wrdreg $0x0  }
0xae: {  	s6 =	sshll.u32 s28, $0x1;
	[dreg:$0x2] =	wrdreg s5  }
0xaf: {  	[dreg:$0x3] =	wrdreg s6  }
0xb0: {  	[dreg:$0x4] =	wrdreg $0xC0  }
0xb1: {  	_ =	task [dreg:s9], $0x5FFFF  }
0xb2: {  	[dreg:$0x1] =	wrdreg $0xFFFFFFFF  }
0xb3: {  	[dreg:$0x0] =	wrdreg $0x60  }
0xb4: {  	[dreg:$0x2] =	wrdreg s17  }
0xb5: {  	[dreg:$0x3] =	wrdreg s18  }
0xb6: {  	[dreg:$0x4] =	wrdreg s19  }
0xb7: {  	[dreg:$0x5] =	wrdreg $0x9  }
0xb8: {  	_ =	task.clear_ibuf [dreg:s9], $0x6FFFF;
	_ =	strace $0x90000046  }
0xb9: {  	s29 =	simm.s32 $0x9;
	_ =	strace $0x80000048  }
0xba: {  	_ =	swait.ge [sflag:s29], $0x1  }
0xbb: {  	[sflag:s29] =	ssyncadd.s32 $0xFFFFFFFF  }
0xbc: {  	_ =	strace $0x90000048  }
0xbd: {  	_ =	sfence  }
0xbe: {  	s30 =	sld [smem:$0x0];
	_ =	sdelay $0x2  }
0xbf: {  	s31 =	sshll.u32 s1, $0xD;
	s1 =	sshrl.u32 s1, $0x2  }
0xc0: {  	s3 =	sand.u32 $0x4000, s31;
	s1 =	sadd.s32 s1, s30  }
0xc1: {  	s0 =	sor.u32 s3, s0;
	s1 =	sshll.u32 s1, $0x11  }
0xc2: {  	s0 =	sor.u32 s1, s0  }
0xc3: {  	s0 =	sadd.s32 $0x8F2B, s0  }
0xc4: {  	[sflag:s0] =	ssyncadd.remote.s32 $0x1  }
0xc5: {  	_ =	sfence.sel $0xFFFF  }
0xc6: {  	[dreg:$0x0] =	wrdreg $0xFFFFFFFF;
	(pc) =	sbr.abs _section_cstart, $3  }
0xc7: {  	[dreg:$0x1] =	wrdreg $0xFFFFFFFF  }
0xc8: {  	_ =	task.clear_ibuf [dreg:s9], $0x2FFFF;
	_ =	strace $0x9FFFFFFF  }
0xc9: {  	(tm) =	ssettm $0x7FFFFFFF  }
tec
execute0_lowered:
.L_overlay_start_1:
0x0: {  	(tag) =	ssettag $0x1  }
0x1: {  	s3 =	rddreg [dreg:$0x0]  }
0x2: {  	s4 =	rddreg [dreg:$0x1]  }
0x3: {  	s5 =	rddreg [dreg:$0x2];
	s2 =	srdreg.scid  }
0x4: {  	s0 =	rddreg [dreg:$0x3];
	s1 =	stileid.u32;
	s10 =	simm.s32 $0x0  }
0x5: {  	s6 =	sand.u32 $0x1, s2;
	s2 =	simm.s32 $0x0;
	s7 =	sshll.u32 s1, $0xB  }
0x6: {  	s8 =	sshll.u32 s6, $0xA;
	[smem:$0x7FF] =	sst s2;
	s6 =	ssub.s32 $0x2, s6  }
0x7: {  	s7 =	sor.u32 s8, s7;
	_ =	strace $0x80000047;
	s31 =	sshrl.u32 s6, $0x1  }
0x8: {  	s8 =	simm.s32 $0x2000;
	s9 =	sshrl.u32 s7, $0x2;
	s6 =	ssub.s32 s6, s31  }
0x9: {  	s3 =	sadd.s32 s3, s7;
	s7 =	simm.s32 $0x1;
	s4 =	sadd.s32 s4, s9  }
0xa: {  	v0 =	vimm.s32 $0x7;
	v1 =	vimm.s32 $0x0;
	s5 =	sadd.s32 s5, s9;
	s6 =	smax.u32 s6, $0x1;
	s9 =	simm.s32 $0x2800  }
.LBB2_1:
0xb: {  	[tilespmem:s2], [sflag:$0x1] =	stream.linear.gather [hbm4b:s3+s2], $0x2000, $0x38;
	[tilespmem:$0x3000] =	vst v63  }
0xc: {  	s12 =	simm.s32 $0x0;
	_ =	swait.ge [sflag:s7], $0x2000  }
0xd: {  	s11 =	sand.u32 $0x70, s2;
	s12 =	sand.u32 $0x3FFFFC00, s12;
	[sflag:s7] =	ssyncset.done $0x0  }
0xe: {  	s12 =	sor.u32 s11, s12;
	[sflag:s7] =	ssyncadd.s32 $0xFFFFE000  }
0xf: {  	v2 =	vld [tilespmem:s12+$0x0]  }
0x10: {  	v3 =	vld [tilespmem:s12+$0x80]  }
0x11: {  	v4 =	vld [tilespmem:s12+$0x100]  }
0x12: {  	v5 =	vld [tilespmem:s12+$0x180]  }
0x13: {  	v6 =	vld [tilespmem:s12+$0x200]  }
0x14: {  	v7 =	vld [tilespmem:s12+$0x280]  }
0x15: {  	v8 =	vld [tilespmem:s12+$0x300];
	v9 =	vmax.f32 v2, v3  }
0x16: {  	v10 =	vld [tilespmem:s12+$0x380];
	v11 =	vmax.f32 v9, v4  }
0x17: {  	v11 =	vmax.f32 v11, v5  }
0x18: {  	v11 =	vmax.f32 v11, v6  }
0x19: {  	v11 =	vmax.f32 v11, v7  }
0x1a: {  	v11 =	vmax.f32 v11, v8  }
0x1b: {  	v11 =	vmax.f32 v11, v10  }
0x1c: {  	vm0 =	veq.f32 v8, v11  }
0x1d: {  	vm1 =	veq.f32 v7, v11;
	v12 =	vsel vm0, $0x6, v0  }
0x1e: {  	vm14 =	veq.f32 v6, v11;
	v12 =	vsel vm1, $0x5, v12  }
0x1f: {  	vm15 =	veq.f32 v4, v11;
	vm2 =	veq.f32 v5, v11;
	v12 =	vsel vm14, $0x4, v12  }
0x20: {  	vm3 =	veq.f32 v3, v11;
	vm0 =	vne.f32 v2, v11;
	v12 =	vsel vm2, $0x3, v12  }
0x21: {  	vm6 =	vmand vm0, vm3;
	v12 =	vsel vm15, $0x2, v12  }
0x22: {  	v9 =	vsel vm6, v2, v9;
	v12 =	vsel vm3, $0x1, v12  }
0x23: {  	v9 =	vsel vm0, v9, v3;
	v12 =	vnsel vm0, $0x0, v12  }
0x24: {  	v13 =	vmax.f32 v9, v4;
	vm7 =	veq.s32 v12, $0x2  }
0x25: {  	v9 =	vsel vm7, v9, v13  }
0x26: {  	vm8 =	veq.s32 v12, $0x3;
	v9 =	vmax.f32 v9, v5  }
0x27: {  	v13 =	vsel vm8, v13, v9  }
0x28: {  	vm9 =	veq.s32 v12, $0x4;
	v13 =	vmax.f32 v13, v6  }
0x29: {  	v9 =	vsel vm9, v9, v13  }
0x2a: {  	vm10 =	veq.s32 v12, $0x5;
	v9 =	vmax.f32 v9, v7  }
0x2b: {  	v13 =	vsel vm10, v13, v9  }
0x2c: {  	vm11 =	veq.s32 v12, $0x6;
	v13 =	vmax.f32 v13, v8  }
0x2d: {  	v9 =	vsel vm11, v9, v13  }
0x2e: {  	vm12 =	veq.s32 v12, $0x7;
	v9 =	vmax.f32 v9, v10  }
0x2f: {  	v9 =	vsel vm12, v13, v9  }
0x30: {  	v11 =	vsub.f32 v9, v11;
	_ =	sdelay $0x1  }
0x31: {  	v11 =	vmul.f32 $1.442695020e+00, v11;
	_ =	sdelay $0x1  }
0x32: {  	(erf) = vpow2.f32 v11;
	_ =	sdelay $0x6  }
0x33: {  	vm1 =	vne.s32 v12, $0x2;
	vm2 =	vne.s32 v12, $0x1;
	vm13 =	vne.s32 v12, $0x3  }
0x34: {  	vm4 =	vne.s32 v12, $0x6;
	vm5 =	vne.s32 v12, $0x4;
	vm6 =	vne.s32 v12, $0x7  }
0x35: {  	vm7 =	vne.s32 v12, $0x5;
	vm8 =	veq.f32 v10, v9;
	vm9 =	veq.f32 v8, v9;
	v11 =	vpop (erf)  }
0x36: {  	vm14 =	veq.f32 v7, v9;
	vm6 =	vmand vm6, vm8;
	v11 =	vadd.f32 $1.000000000e+00, v11  }
0x37: {  	vm4 =	vmand vm4, vm9;
	vm15 =	vmand vm7, vm14;
	v61 =	vsel vm6, $0x7, v1  }
0x38: {  	vm9 =	veq.f32 v6, v9;
	v7 =	vsel vm4, $0x6, v61;
	(erf) = vrcp.f32 v11  }
0x39: {  	vm10 =	veq.f32 v5, v9;
	vm11 =	vmand vm5, vm9;
	v62 =	vsel vm15, $0x5, v7  }
0x3a: {  	vm12 =	veq.f32 v4, v9;
	vm3 =	vmand vm13, vm10;
	v5 =	vsel vm11, $0x4, v62  }
0x3b: {  	vm1 =	vmand vm1, vm12;
	vm13 =	veq.f32 v3, v9;
	v63 =	vsel vm3, $0x3, v5  }
0x3c: {  	vm14 =	vmand vm2, vm13;
	vm15 =	veq.f32 v2, v9;
	v3 =	vsel vm1, $0x2, v63  }
0x3d: {  	s31 =	simm.s32 $0x0;
	vm0 =	vmand vm0, vm15;
	v2 =	vsel vm14, $0x1, v3  }
0x3e: {  	s12 =	sand.u32 $0xFFFFFF00, s31;
	v2 =	vsel vm0, $0x0, v2  }
0x3f: {  	s14 =	sor.u32 s11, s12  }
0x40: {  	[tilespmem:s14+$0x2800] =	vst v12  }
0x41: {  	s15 =	simm.s32 $0x2;
	s11 =	simm.s32 $0x1;
	s12 =	simm.s32 $0x0;
	[tilespmem:s14+$0x2880] =	vst v2;
	v2 =	vpop (erf)  }
.LBB2_2:
0x42: {  	s16 =	sshll.u32 s11, $0x7  }
0x43: {  	[tilespmem:s14+$0x2000] =	vst v2;
	v2 =	vsub.f32 $1.000000000e+00, v2;
	s12 =	sadd.s32 $0x10, s12;
	s17 =	smov.u32 s15;
	s13 =	sadd.s32 $0x1, s15  }
0x44: {  	p0 =	sne.s32 s15, $0x3F;
	s15 =	sand.u32 $0x70, s12;
	s16 =	sand.u32 $0x3FFFFC00, s16  }
0x45: {  	s16 =	sor.u32 s15, s16;
	[tilespmem:s14+$0x2080] =	vst v2  }
0x46: {  	v2 =	vld [tilespmem:s16+$0x100]  }
0x47: {  	v3 =	vld [tilespmem:s16+$0x0]  }
0x48: {  	v4 =	vld [tilespmem:s16+$0x80]  }
0x49: {  	v5 =	vld [tilespmem:s16+$0x180]  }
0x4a: {  	v6 =	vld [tilespmem:s16+$0x200]  }
0x4b: {  	v7 =	vld [tilespmem:s16+$0x280]  }
0x4c: {  	v8 =	vld [tilespmem:s16+$0x300]  }
0x4d: {  	v9 =	vld [tilespmem:s16+$0x380];
	v10 =	vmax.f32 v3, v4  }
0x4e: {  	v11 =	vmax.f32 v10, v2  }
0x4f: {  	v11 =	vmax.f32 v11, v5  }
0x50: {  	v11 =	vmax.f32 v11, v6  }
0x51: {  	v11 =	vmax.f32 v11, v7  }
0x52: {  	v11 =	vmax.f32 v11, v8  }
0x53: {  	v11 =	vmax.f32 v11, v9  }
0x54: {  	vm0 =	veq.f32 v8, v11;
	vm1 =	veq.f32 v7, v11;
	vm2 =	veq.f32 v2, v11  }
0x55: {  	vm3 =	veq.f32 v6, v11;
	vm4 =	veq.f32 v4, v11;
	v12 =	vsel vm0, $0x6, v0  }
0x56: {  	vm0 =	vne.f32 v3, v11;
	v12 =	vsel vm1, $0x5, v12;
	vm1 =	veq.f32 v5, v11  }
0x57: {  	v12 =	vsel vm3, $0x4, v12;
	vm3 =	vmand vm0, vm4  }
0x58: {  	v12 =	vsel vm1, $0x3, v12;
	v10 =	vsel vm3, v3, v10  }
0x59: {  	s14 =	sshll.u32 s11, $0x5;
	s11 =	smov.u32 s17;
	v12 =	vsel vm2, $0x2, v12;
	v10 =	vsel vm0, v10, v4  }
0x5a: {  	s14 =	sand.u32 $0xFFFFFF00, s14;
	v12 =	vsel vm4, $0x1, v12  }
0x5b: {  	s14 =	sor.u32 s15, s14;
	v13 =	vmax.f32 v10, v2;
	v12 =	vnsel vm0, $0x0, v12  }
0x5c: {  	vm1 =	veq.s32 v12, $0x2;
	[tilespmem:s14+$0x2800] =	vst v12  }
0x5d: {  	v10 =	vsel vm1, v10, v13;
	vm1 =	veq.s32 v12, $0x3  }
0x5e: {  	v10 =	vmax.f32 v10, v5  }
0x5f: {  	v13 =	vsel vm1, v13, v10;
	vm1 =	veq.s32 v12, $0x4  }
0x60: {  	v13 =	vmax.f32 v13, v6  }
0x61: {  	v10 =	vsel vm1, v10, v13;
	vm1 =	veq.s32 v12, $0x5  }
0x62: {  	v10 =	vmax.f32 v10, v7  }
0x63: {  	vm3 =	veq.s32 v12, $0x6;
	v13 =	vsel vm1, v13, v10  }
0x64: {  	vm2 =	vne.s32 v12, $0x2;
	vm1 =	vne.s32 v12, $0x1;
	v13 =	vmax.f32 v13, v8  }
0x65: {  	vm4 =	vne.s32 v12, $0x3;
	v10 =	vsel vm3, v10, v13;
	vm3 =	veq.s32 v12, $0x7  }
0x66: {  	vm5 =	vne.s32 v12, $0x6;
	vm6 =	vne.s32 v12, $0x4;
	v10 =	vmax.f32 v10, v9  }
0x67: {  	vm7 =	vne.s32 v12, $0x5;
	v10 =	vsel vm3, v13, v10;
	vm3 =	vne.s32 v12, $0x7  }
0x68: {  	vm8 =	veq.f32 v9, v10;
	vm9 =	veq.f32 v8, v10;
	v8 =	vsub.f32 v10, v11  }
0x69: {  	vm10 =	veq.f32 v5, v10;
	vm3 =	vmand vm3, vm8;
	vm8 =	veq.f32 v7, v10  }
0x6a: {  	v5 =	vsel vm3, $0x7, v1;
	vm3 =	vmand vm5, vm9;
	v7 =	vmul.f32 $1.442695020e+00, v8  }
0x6b: {  	vm5 =	veq.f32 v6, v10;
	v5 =	vsel vm3, $0x6, v5;
	vm3 =	vmand vm7, vm8  }
0x6c: {  	v5 =	vsel vm3, $0x5, v5;
	vm3 =	vmand vm6, vm5;
	(erf) = vpow2.f32 v7  }
0x6d: {  	v5 =	vsel vm3, $0x4, v5;
	vm3 =	vmand vm4, vm10;
	vm4 =	veq.f32 v2, v10  }
0x6e: {  	v2 =	vsel vm3, $0x3, v5;
	vm2 =	vmand vm2, vm4;
	vm3 =	veq.f32 v4, v10  }
0x6f: {  	v2 =	vsel vm2, $0x2, v2;
	vm1 =	vmand vm1, vm3;
	vm2 =	veq.f32 v3, v10  }
0x70: {  	v2 =	vsel vm1, $0x1, v2;
	vm0 =	vmand vm0, vm2  }
0x71: {  	v2 =	vsel vm0, $0x0, v2  }
0x72: {  	[tilespmem:s14+$0x2880] =	vst v2;
	_ =	sdelay $0x2  }
0x73: {  	v2 =	vpop (erf)  }
0x74: {  	v2 =	vadd.f32 $1.000000000e+00, v2;
	_ =	sdelay $0x1  }
0x75: {  	(erf) = vrcp.f32 v2;
	_ =	sdelay $0x4  }
.Ltmp0:
0x76: {  	(pc) =	sbr.rel @p0 .LBB2_2-.Ltmp0, $2  }
0x77: {  	_ =	sdelay $0x2  }
0x78: {  	s15 =	smov.u32 s13;
	v2 =	vpop (erf)  }
0x79: {  	s13 =	sshll.u32 s11, $0x7;
	v3 =	vsub.f32 $1.000000000e+00, v2;
	s12 =	sadd.s32 $0x10, s12  }
0x7a: {  	[tilespmem:s14+$0x2000] =	vst v2;
	s12 =	sand.u32 $0x70, s12;
	s13 =	sand.u32 $0x3FFFFC00, s13  }
0x7b: {  	s13 =	sor.u32 s12, s13;
	[tilespmem:s14+$0x2080] =	vst v3  }
0x7c: {  	v2 =	vld [tilespmem:s13+$0x0]  }
0x7d: {  	v3 =	vld [tilespmem:s13+$0x80]  }
0x7e: {  	v4 =	vld [tilespmem:s13+$0x100]  }
0x7f: {  	v5 =	vld [tilespmem:s13+$0x180]  }
0x80: {  	v6 =	vld [tilespmem:s13+$0x200]  }
0x81: {  	v7 =	vld [tilespmem:s13+$0x280]  }
0x82: {  	v8 =	vld [tilespmem:s13+$0x300];
	v9 =	vmax.f32 v2, v3  }
0x83: {  	v10 =	vld [tilespmem:s13+$0x380];
	v11 =	vmax.f32 v9, v4  }
0x84: {  	v11 =	vmax.f32 v11, v5  }
0x85: {  	v11 =	vmax.f32 v11, v6  }
0x86: {  	v11 =	vmax.f32 v11, v7  }
0x87: {  	v11 =	vmax.f32 v11, v8  }
0x88: {  	v11 =	vmax.f32 v11, v10  }
0x89: {  	vm0 =	veq.f32 v8, v11  }
0x8a: {  	vm1 =	veq.f32 v7, v11;
	v12 =	vsel vm0, $0x6, v0  }
0x8b: {  	vm14 =	veq.f32 v6, v11;
	v12 =	vsel vm1, $0x5, v12  }
0x8c: {  	vm15 =	veq.f32 v4, v11;
	vm2 =	veq.f32 v5, v11;
	v12 =	vsel vm14, $0x4, v12  }
0x8d: {  	vm3 =	veq.f32 v3, v11;
	vm0 =	vne.f32 v2, v11;
	v12 =	vsel vm2, $0x3, v12  }
0x8e: {  	vm6 =	vmand vm0, vm3;
	v12 =	vsel vm15, $0x2, v12  }
0x8f: {  	v9 =	vsel vm6, v2, v9;
	v12 =	vsel vm3, $0x1, v12  }
0x90: {  	v9 =	vsel vm0, v9, v3;
	v12 =	vnsel vm0, $0x0, v12  }
0x91: {  	v13 =	vmax.f32 v9, v4;
	vm7 =	veq.s32 v12, $0x2  }
0x92: {  	v9 =	vsel vm7, v9, v13  }
0x93: {  	vm8 =	veq.s32 v12, $0x3;
	v9 =	vmax.f32 v9, v5  }
0x94: {  	v13 =	vsel vm8, v13, v9  }
0x95: {  	vm9 =	veq.s32 v12, $0x4;
	v13 =	vmax.f32 v13, v6  }
0x96: {  	v9 =	vsel vm9, v9, v13  }
0x97: {  	vm10 =	veq.s32 v12, $0x5;
	v9 =	vmax.f32 v9, v7  }
0x98: {  	v13 =	vsel vm10, v13, v9  }
0x99: {  	vm11 =	veq.s32 v12, $0x6;
	v13 =	vmax.f32 v13, v8  }
0x9a: {  	v9 =	vsel vm11, v9, v13  }
0x9b: {  	vm12 =	veq.s32 v12, $0x7;
	v9 =	vmax.f32 v9, v10  }
0x9c: {  	v9 =	vsel vm12, v13, v9  }
0x9d: {  	v11 =	vsub.f32 v9, v11;
	_ =	sdelay $0x1  }
0x9e: {  	v11 =	vmul.f32 $1.442695020e+00, v11;
	_ =	sdelay $0x1  }
0x9f: {  	(erf) = vpow2.f32 v11;
	_ =	sdelay $0x8  }
0xa0: {  	vm1 =	vne.s32 v12, $0x2;
	vm13 =	vne.s32 v12, $0x3;
	v11 =	vpop (erf)  }
0xa1: {  	vm4 =	vne.s32 v12, $0x6;
	vm5 =	vne.s32 v12, $0x4;
	v11 =	vadd.f32 $1.000000000e+00, v11  }
0xa2: {  	vm6 =	vne.s32 v12, $0x7;
	vm8 =	vne.s32 v12, $0x5;
	vm7 =	veq.f32 v10, v9  }
0xa3: {  	vm9 =	veq.f32 v8, v9;
	vm6 =	vmand vm6, vm7;
	(erf) = vrcp.f32 v11  }
0xa4: {  	vm14 =	veq.f32 v7, v9;
	vm4 =	vmand vm4, vm9;
	v61 =	vsel vm6, $0x7, v1  }
0xa5: {  	vm15 =	vmand vm8, vm14;
	vm9 =	veq.f32 v6, v9;
	v7 =	vsel vm4, $0x6, v61  }
0xa6: {  	vm10 =	veq.f32 v5, v9;
	vm11 =	vmand vm5, vm9;
	v62 =	vsel vm15, $0x5, v7  }
0xa7: {  	vm12 =	veq.f32 v4, v9;
	vm3 =	vmand vm13, vm10;
	v5 =	vsel vm11, $0x4, v62  }
0xa8: {  	vm1 =	vmand vm1, vm12;
	v63 =	vsel vm3, $0x3, v5  }
0xa9: {  	s31 =	sshll.u32 s11, $0x5;
	vm2 =	vne.s32 v12, $0x1;
	vm13 =	veq.f32 v3, v9;
	v3 =	vsel vm1, $0x2, v63  }
0xaa: {  	s11 =	sand.u32 $0xFFFFFF00, s31;
	vm14 =	vmand vm2, vm13;
	vm15 =	veq.f32 v2, v9  }
0xab: {  	s11 =	sor.u32 s12, s11;
	vm0 =	vmand vm0, vm15;
	v2 =	vsel vm14, $0x1, v3  }
0xac: {  	[tilespmem:s11+$0x2800] =	vst v12;
	v2 =	vsel vm0, $0x0, v2;
	v3 =	vpop (erf)  }
0xad: {  	[tilespmem:s11+$0x2880] =	vst v2;
	v2 =	vsub.f32 $1.000000000e+00, v3  }
0xae: {  	[tilespmem:s11+$0x2000] =	vst v3  }
0xaf: {  	[tilespmem:s11+$0x2080] =	vst v2  }
0xb0: {  	[hbm4b:s4+s2] =	stream.linear.scatter [tilespmem:s8], [sflag:$0x1], $0x800, $0x38;
	[tilespmem:$0x3000] =	vst v63  }
0xb1: {  	s10 =	sadd.s32 $0x1, s10;
	_ =	swait.ge [sflag:s7], $0x800  }
0xb2: {  	p0 =	sne.s32 s10, s6;
	[sflag:s7] =	ssyncset.done $0x0  }
.Ltmp1:
0xb3: {  	[sflag:s7] =	ssyncadd.s32 $0xFFFFF800;
	(pc) =	sbr.rel @p0 .LBB2_1-.Ltmp1, $4  }
0xb4: {  	[hbm4b:s5+s2] =	stream.linear.scatter [tilespmem:s9], [sflag:$0x1], $0x800, $0x38;
	[tilespmem:$0x3000] =	vst v63  }
0xb5: {  	_ =	swait.ge [sflag:s7], $0x800  }
0xb6: {  	[sflag:s7] =	ssyncset.done $0x0  }
0xb7: {  	[sflag:s7] =	ssyncadd.s32 $0xFFFFF800  }
0xb8: {  	_ =	sfence.sel $0x180000  }
0xb9: {  	[bflag:$0x0] =	sbarrier.arrive $0xFFFF  }
0xba: {  	p0 =	sne.s32 s1, $0x0;
	_ =	strace $0x90000047  }
0xbb: {  	s0 =	sadd.s32 @!p0 $0x100000, s0;
	[bflag:$0x2] =	sbarrier.arrive $0xFFFF  }
0xbc: {  	[sflag:s0] =	ssyncadd.tile.s32 @!p0 $0x1;
	_ =	shalt  }
.Lfunc_end2:
_tile_overlayer_lowered:
.L_overlay_start_2:
0xbd: {  	(tag) =	ssettag $0x2  }
0xbe: {  	s0 =	rddreg [dreg:$0x0];
	s2 =	stileid.u32  }
0xbf: {  	s1 =	rddreg [dreg:$0x1];
	p0 =	sne.s32 s2, $0x0  }
0xc0: {  	s3 =	rddreg [dreg:$0x2];
	[bflag:$0x3] =	sbarrier.arrive $0xFFFF;
	s2 =	simm.s32 @!p0 $0x1C01  }
0xc1: {  	[timem:s3], [sflag:s2] =	dma.local @!p0 [hbm:s0], s1  }
0xc2: {  	s0 =	simm.s32 @!p0 $0x1  }
0xc3: {  	_ =	swait.ge @!p0 [sflag:s0], s1  }
0xc4: {  	s1 =	ssub.s32 @!p0 $0x0, s1;
	[sflag:s0] =	ssyncset.done @!p0 $0x0  }
0xc5: {  	[sflag:s0] =	ssyncadd.s32 @!p0 s1  }
0xc6: {  	[bflag:$0x3] =	sbarrier.arrive $0xFFFF  }
0xc7: {  	_ =	shalt  }

</sc_bundles>
